<compile_context>
chip_gen: v7x
topology: tpu7x:2x2x1
jax: 0.10.2.dev20260603
libtpu: 0.0.44.dev20260713+nightly
codegen_flags: <defaults>
</compile_context>

<pallas_src>
import functools

import jax
import jax.numpy as jnp
from jax import lax
from jax.experimental import pallas as pl
from jax.experimental.pallas import tpu as pltpu
from jax.experimental.pallas import tpu_sc as plsc

B = 16384
N_DENSE = 13
N_SPARSE = 26
VOCAB = 100000
D = 16
NF = N_DENSE + N_SPARSE

NC = 2
NS = 16
NW = NC * NS
ROWS_PER_W = B // NW
LANES = 16


def _sc_gather(x_flat, tflat):
    mesh = plsc.VectorSubcoreMesh(core_axis_name="c", subcore_axis_name="s",
                                  num_cores=NC, num_subcores=NS)

    C = 16
    NCH = ROWS_PER_W // C
    NGR = C * N_SPARSE * D
    NTOK = C * N_SPARSE
    VGR = VOCAB // D

    @functools.partial(
        pl.kernel,
        out_type=jax.ShapeDtypeStruct((B * N_SPARSE, D), jnp.float32),
        mesh=mesh,
        compiler_params=pltpu.CompilerParams(needs_layout_passes=False,
                                             use_tc_tiling_on_sc=False),
        scratch_types=[
            pltpu.VMEM((C * NF,), jnp.float32),
            pltpu.VMEM((NGR,), jnp.int32),
            pltpu.VMEM((NGR, D), jnp.float32),
            pltpu.VMEM((NTOK, D), jnp.float32),
            pltpu.VMEM((N_SPARSE * D,), jnp.int32),
            pltpu.SemaphoreType.DMA,
        ],
    )
    def k(x_hbm, tflat_hbm, g_hbm, xbuf, idxbuf, rows, outb, vbuf, sem):
        wid = lax.axis_index("s") * NC + lax.axis_index("c")
        base_w = wid * ROWS_PER_W

        def do_chunk(c, _):
            base = base_w + c * C
            pltpu.sync_copy(x_hbm.at[pl.ds(base * NF, C * NF)], xbuf)
            bvec = lax.iota(jnp.int32, LANES)

            def build_f(f, _):
                v = plsc.load_gather(xbuf, [bvec * NF + (N_DENSE + f)])
                vi = v.astype(jnp.int32)
                vbuf[pl.ds(f * D, D)] = vi
                vg = lax.shift_right_logical(vi, 4)

                def build_d(d, _):
                    m = vg + ((f * D + d) * VGR)
                    plsc.store_scatter(idxbuf, [bvec * (N_SPARSE * D)
                                                + f * D + d], m)
                    return _

                lax.fori_loop(0, D, build_d, None, unroll=4)
                return _

            lax.fori_loop(0, N_SPARSE, build_f, None)
            pltpu.async_copy(tflat_hbm.at[idxbuf], rows, sem).wait()

            def extr_f(f, _):
                vi = vbuf[pl.ds(f * D, D)]
                col = lax.rem(vi, D)
                t16 = bvec * N_SPARSE + f

                def extr_d(d, _):
                    vals = plsc.load_gather(rows, [t16 * D + d, col])
                    plsc.store_scatter(outb, [t16, bvec * 0 + d], vals)
                    return _

                lax.fori_loop(0, D, extr_d, None, unroll=4)
                return _

            lax.fori_loop(0, N_SPARSE, extr_f, None)
            pltpu.sync_copy(outb, g_hbm.at[pl.ds(base * N_SPARSE, NTOK)])
            return _

        lax.fori_loop(0, NCH, do_chunk, None)

    return k(x_flat, tflat)


def _tc_dense_ln(x_t, g2, ew_t, b_col, sel, selt, gamma_col, beta_col):
    R = 512
    w208 = N_DENSE * D
    w624 = NF * D

    def body(x_ref, g_ref, ew_ref, b_ref, s_ref, st_ref, gm_ref, bt_ref, o_ref):
        dense = jnp.dot(ew_ref[...], x_ref[:N_DENSE, :],
                        preferred_element_type=jnp.float32) + b_ref[...]
        g_t = g_ref[...].T
        comb = jnp.concatenate([dense, g_t], axis=0)
        ssum = jnp.dot(st_ref[...], comb, preferred_element_type=jnp.float32)
        mean = ssum * (1.0 / D)
        cent = comb - jnp.dot(s_ref[...], mean,
                              preferred_element_type=jnp.float32)
        vsum = jnp.dot(st_ref[...], cent * cent,
                       preferred_element_type=jnp.float32)
        rinv = lax.rsqrt(vsum * (1.0 / D) + 1e-5)
        rb = jnp.dot(s_ref[...], rinv, preferred_element_type=jnp.float32)
        o_ref[...] = cent * rb * gm_ref[...] + bt_ref[...]

    full = lambda s: pl.BlockSpec(s, lambda i: (0, 0))
    return pl.pallas_call(
        body,
        grid=(B // R,),
        in_specs=[
            pl.BlockSpec((NF, R), lambda i: (0, i)),
            pl.BlockSpec((R, N_SPARSE * D), lambda i: (i, 0)),
            full((w208, N_DENSE)),
            full((w208, 1)),
            full((w624, NF)),
            full((NF, w624)),
            full((w624, 1)),
            full((w624, 1)),
        ],
        out_specs=pl.BlockSpec((w624, R), lambda i: (0, i)),
        out_shape=jax.ShapeDtypeStruct((w624, B), jnp.float32),
    )(x_t, g2, ew_t, b_col, sel, selt, gamma_col, beta_col)


def kernel(x, tables, lin_w, lin_b, ln_gamma, ln_beta):
    tflat = jnp.transpose(tables, (0, 2, 1)).reshape(N_SPARSE * VOCAB, D)
    g = _sc_gather(x.reshape(-1), tflat)

    ew_t = (jnp.eye(N_DENSE, dtype=jnp.float32)[:, :, None]
            * lin_w[None, :, :]).reshape(N_DENSE, N_DENSE * D).T
    b_col = lin_b.reshape(N_DENSE * D, 1)
    sel = jnp.repeat(jnp.eye(NF, dtype=jnp.float32), D, axis=0)
    selt = sel.T
    gamma_col = jnp.tile(ln_gamma, NF).reshape(NF * D, 1)
    beta_col = jnp.tile(ln_beta, NF).reshape(NF * D, 1)

    out_t = _tc_dense_ln(x.T, g.reshape(B, N_SPARSE * D),
                         ew_t, b_col, sel, selt, gamma_col, beta_col)
    return out_t.reshape(NF, D, B).transpose(2, 0, 1)

# --- scband reference (transcript-rebuilt; emitter-appended) ---
"""Pipeline reference for scband-embeding-layer-28217935134784 (READ-ONLY COPY).

The authoritative reference and input builder live on the scoring server;
editing this copy changes nothing except your own understanding.
"""

import jax, jax.numpy as jnp
import numpy as np

B = 16384
N_DENSE = 13
N_SPARSE = 26
VOCAB = 100000
D = 16

def setup_inputs(seed: int = 0) -> dict:
    key = jax.random.key(seed)
    k1, k2, k3, k4, k5, k6 = jax.random.split(key, 6)
    x = jax.random.randint(k1, (B, N_DENSE + N_SPARSE), 0, VOCAB).astype(jnp.float32)
    tables = jax.random.normal(k2, (N_SPARSE, VOCAB, D), dtype=jnp.float32) * 0.01
    lin_w = jax.random.normal(k3, (N_DENSE, D), dtype=jnp.float32) * 0.01
    lin_b = jax.random.normal(k4, (N_DENSE, D), dtype=jnp.float32) * 0.01
    ln_gamma = jnp.ones((D,), dtype=jnp.float32)
    ln_beta = jnp.zeros((D,), dtype=jnp.float32)
    return {"x": x, "tables": tables, "lin_w": lin_w, "lin_b": lin_b, "ln_gamma": ln_gamma, "ln_beta": ln_beta}

def reference(x, tables, lin_w, lin_b, ln_gamma, ln_beta):
    dense = x[:, :N_DENSE]
    sparse = x[:, N_DENSE:].astype(jnp.int32)
    # per-field embedding lookup: tables[field, idx] -> [B, N_SPARSE, D]
    field_ids = jnp.arange(N_SPARSE)
    sparse_embeds = tables[field_ids[None, :], sparse]
    # per-dense-feature Linear(1, D): w*x + b -> [B, N_DENSE, D]
    dense_embeds = dense[:, :, None] * lin_w[None, :, :] + lin_b[None, :, :]
    combined = jnp.concatenate([dense_embeds, sparse_embeds], axis=1)
    mean = jnp.mean(combined, axis=-1, keepdims=True)
    var = jnp.mean((combined - mean) ** 2, axis=-1, keepdims=True)
    normed = (combined - mean) / jnp.sqrt(var + 1e-5)
    return normed * ln_gamma + ln_beta

if __name__ == "__main__":
    import jax
    _d = setup_inputs()
    print(jax.jit(kernel)(*tuple(_d.values())))

</pallas_src>

<mosaic_0001>
#map = affine_map<(d0, d1) -> (0)>
#map1 = affine_map<(d0, d1) -> (0, 0)>
module attributes {stable_mosaic.version = 14 : i64} {
  func.func @k(%arg0: i32, %arg1: i32, %arg2: memref<638976xf32, #tpu.memory_space<hbm>>, %arg3: memref<2600000x16xf32, #tpu.memory_space<hbm>>, %arg4: memref<425984x16xf32, #tpu.memory_space<hbm>>, %arg5: memref<624xf32, #tpu.memory_space<vmem>>, %arg6: memref<6656xi32, #tpu.memory_space<vmem>>, %arg7: memref<6656x16xf32, #tpu.memory_space<vmem>>, %arg8: memref<416x16xf32, #tpu.memory_space<vmem>>, %arg9: memref<416xi32, #tpu.memory_space<vmem>>, %arg10: memref<!tpu.dma_semaphore, #tpu.memory_space<semaphore_mem>>) attributes {dimension_semantics = [#tpu.dimension_semantics<core_parallel>, #tpu.dimension_semantics<subcore_parallel>], iteration_bounds = array<i64: 2, 16>, scalar_prefetch = 0 : i64, scratch_operands = 6 : i64, tpu.core_type = #tpu.core_type<sc_vector_subcore>, window_params = [{transform_indices = #map}, {transform_indices = #map1}, {transform_indices = #map1}]} {
    %mul3A = arith.constant 2 : i32
    %mul3A_0 = arith.muli %arg1, %mul3A : i32
    %add3A = arith.addi %mul3A_0, %arg0 : i32
    %mul3A_1 = arith.constant 512 : i32
    %mul3A_2 = arith.muli %add3A, %mul3A_1 : i32
    %scan3A = arith.constant 0 : i32
    %scan3A_3 = arith.constant 32 : i32
    %scan3A_4 = arith.addi %scan3A, %scan3A_3 : i32
    %scan3A_5 = arith.constant 1 : i32
    scf.for %scan3A_7 = %scan3A to %scan3A_4 step %scan3A_5  : i32 {
      %mul3A_8 = arith.constant 16 : i32
      %mul3A_9 = arith.muli %scan3A_7, %mul3A_8 : i32
      %add3A_10 = arith.addi %mul3A_2, %mul3A_9 : i32
      %mul3A_11 = arith.constant 39 : i32
      %mul3A_12 = arith.muli %add3A_10, %mul3A_11 : i32
      "tpu.region"() ({
        %run_scoped3A = tpu.sem_alloc : memref<!tpu.dma_semaphore, #tpu.memory_space<semaphore_mem>>
        %dma_start3A_29 = tpu.memref_slice %arg2[%mul3A_12] : memref<638976xf32, #tpu.memory_space<hbm>> -> memref<624xf32, #tpu.memory_space<hbm>>
        %dma_start3A_30 = tpu.memref_slice %arg2[%mul3A_12] : memref<638976xf32, #tpu.memory_space<hbm>> -> memref<624xf32, #tpu.memory_space<hbm>>
        tpu.enqueue_dma source(%dma_start3A_30 : memref<624xf32, #tpu.memory_space<hbm>>) target(%arg5 : memref<624xf32, #tpu.memory_space<vmem>>) target_semaphore(%run_scoped3A : memref<!tpu.dma_semaphore, #tpu.memory_space<semaphore_mem>>)
        %dma_wait3A_31 = tpu.memref_slice %arg2[%mul3A_12] : memref<638976xf32, #tpu.memory_space<hbm>> -> memref<624xf32, #tpu.memory_space<hbm>>
        %dma_wait3A_32 = tpu.memref_slice %arg2[%mul3A_12] : memref<638976xf32, #tpu.memory_space<hbm>> -> memref<624xf32, #tpu.memory_space<hbm>>
        tpu.wait_dma2 semaphore(%run_scoped3A : memref<!tpu.dma_semaphore, #tpu.memory_space<semaphore_mem>>) src(%dma_wait3A_32 : memref<624xf32, #tpu.memory_space<hbm>>) dst(%arg5 : memref<624xf32, #tpu.memory_space<vmem>>)
        tpu.yield
      }) : () -> ()
      %iota3A = tpu.iota {dimensions = array<i32: 0>} : vector<16xi32>
      %scan3A_13 = arith.constant 0 : i32
      %scan3A_14 = arith.constant 26 : i32
      %scan3A_15 = arith.addi %scan3A_13, %scan3A_14 : i32
      %scan3A_16 = arith.constant 1 : i32
      scf.for %scan3A_29 = %scan3A_13 to %scan3A_15 step %scan3A_16  : i32 {
        %mul3A_30 = arith.constant 39 : i32
        %mul3A_31 = vector.broadcast %mul3A_30 : i32 to vector<16xi32>
        %mul3A_32 = arith.muli %iota3A, %mul3A_31 : vector<16xi32>
        %add3A_33 = arith.constant 13 : i32
        %add3A_34 = arith.addi %add3A_33, %scan3A_29 : i32
        %add3A_35 = vector.broadcast %add3A_34 : i32 to vector<16xi32>
        %add3A_36 = arith.addi %mul3A_32, %add3A_35 : vector<16xi32>
        %gather3A = tpu.vector_load_idx %arg5[%add3A_36] : memref<624xf32, #tpu.memory_space<vmem>>[vector<16xi32>], vector<16xf32>,
        %convert_element_type3A = arith.fptosi %gather3A : vector<16xf32> to vector<16xi32>
        %mul3A_37 = arith.constant 16 : i32
        %mul3A_38 = arith.muli %scan3A_29, %mul3A_37 : i32
        %swap3A = arith.index_cast %mul3A_38 : i32 to index
        %swap3A_39 = tpu.vector_load %arg9[%swap3A] {strides = array<i32>} : memref<416xi32, #tpu.memory_space<vmem>>, vector<16xi32>,
        tpu.vector_store %arg9[%swap3A], %convert_element_type3A {strides = array<i32>} : memref<416xi32, #tpu.memory_space<vmem>>, vector<16xi32>,
        %shift_right_logical3A = arith.constant 4 : i32
        %shift_right_logical3A_40 = vector.broadcast %shift_right_logical3A : i32 to vector<16xi32>
        %shift_right_logical3A_41 = arith.shrui %convert_element_type3A, %shift_right_logical3A_40 : vector<16xi32>
        %scan3A_42 = arith.constant 0 : i32
        %scan3A_43 = arith.constant 16 : i32
        %scan3A_44 = arith.addi %scan3A_42, %scan3A_43 : i32
        %scan3A_45 = arith.constant 4 : i32
        scf.for %scan3A_47 = %scan3A_42 to %scan3A_44 step %scan3A_45  : i32 {
          %mul3A_48 = arith.constant 16 : i32
          %mul3A_49 = arith.muli %scan3A_29, %mul3A_48 : i32
          %add3A_50 = arith.addi %mul3A_49, %scan3A_47 : i32
          %mul3A_51 = arith.constant 6250 : i32
          %mul3A_52 = arith.muli %add3A_50, %mul3A_51 : i32
          %add3A_53 = vector.broadcast %mul3A_52 : i32 to vector<16xi32>
          %add3A_54 = arith.addi %shift_right_logical3A_41, %add3A_53 : vector<16xi32>
          %mul3A_55 = arith.constant 416 : i32
          %mul3A_56 = vector.broadcast %mul3A_55 : i32 to vector<16xi32>
          %mul3A_57 = arith.muli %iota3A, %mul3A_56 : vector<16xi32>
          %mul3A_58 = arith.constant 16 : i32
          %mul3A_59 = arith.muli %scan3A_29, %mul3A_58 : i32
          %add3A_60 = vector.broadcast %mul3A_59 : i32 to vector<16xi32>
          %add3A_61 = arith.addi %mul3A_57, %add3A_60 : vector<16xi32>
          %add3A_62 = vector.broadcast %scan3A_47 : i32 to vector<16xi32>
          %add3A_63 = arith.addi %add3A_61, %add3A_62 : vector<16xi32>
          tpu.vector_store_idx %arg6[%add3A_63], %add3A_54 : memref<6656xi32, #tpu.memory_space<vmem>>[vector<16xi32>], vector<16xi32>,
          %scan3A_64 = arith.constant 1 : i32
          %scan3A_65 = arith.addi %scan3A_47, %scan3A_64 : i32
          %mul3A_66 = arith.constant 16 : i32
          %mul3A_67 = arith.muli %scan3A_29, %mul3A_66 : i32
          %add3A_68 = arith.addi %mul3A_67, %scan3A_65 : i32
          %mul3A_69 = arith.constant 6250 : i32
          %mul3A_70 = arith.muli %add3A_68, %mul3A_69 : i32
          %add3A_71 = vector.broadcast %mul3A_70 : i32 to vector<16xi32>
          %add3A_72 = arith.addi %shift_right_logical3A_41, %add3A_71 : vector<16xi32>
          %mul3A_73 = arith.constant 416 : i32
          %mul3A_74 = vector.broadcast %mul3A_73 : i32 to vector<16xi32>
          %mul3A_75 = arith.muli %iota3A, %mul3A_74 : vector<16xi32>
          %mul3A_76 = arith.constant 16 : i32
          %mul3A_77 = arith.muli %scan3A_29, %mul3A_76 : i32
          %add3A_78 = vector.broadcast %mul3A_77 : i32 to vector<16xi32>
          %add3A_79 = arith.addi %mul3A_75, %add3A_78 : vector<16xi32>
          %add3A_80 = vector.broadcast %scan3A_65 : i32 to vector<16xi32>
          %add3A_81 = arith.addi %add3A_79, %add3A_80 : vector<16xi32>
          tpu.vector_store_idx %arg6[%add3A_81], %add3A_72 : memref<6656xi32, #tpu.memory_space<vmem>>[vector<16xi32>], vector<16xi32>,
          %scan3A_82 = arith.constant 2 : i32
          %scan3A_83 = arith.addi %scan3A_47, %scan3A_82 : i32
          %mul3A_84 = arith.constant 16 : i32
          %mul3A_85 = arith.muli %scan3A_29, %mul3A_84 : i32
          %add3A_86 = arith.addi %mul3A_85, %scan3A_83 : i32
          %mul3A_87 = arith.constant 6250 : i32
          %mul3A_88 = arith.muli %add3A_86, %mul3A_87 : i32
          %add3A_89 = vector.broadcast %mul3A_88 : i32 to vector<16xi32>
          %add3A_90 = arith.addi %shift_right_logical3A_41, %add3A_89 : vector<16xi32>
          %mul3A_91 = arith.constant 416 : i32
          %mul3A_92 = vector.broadcast %mul3A_91 : i32 to vector<16xi32>
          %mul3A_93 = arith.muli %iota3A, %mul3A_92 : vector<16xi32>
          %mul3A_94 = arith.constant 16 : i32
          %mul3A_95 = arith.muli %scan3A_29, %mul3A_94 : i32
          %add3A_96 = vector.broadcast %mul3A_95 : i32 to vector<16xi32>
          %add3A_97 = arith.addi %mul3A_93, %add3A_96 : vector<16xi32>
          %add3A_98 = vector.broadcast %scan3A_83 : i32 to vector<16xi32>
          %add3A_99 = arith.addi %add3A_97, %add3A_98 : vector<16xi32>
          tpu.vector_store_idx %arg6[%add3A_99], %add3A_90 : memref<6656xi32, #tpu.memory_space<vmem>>[vector<16xi32>], vector<16xi32>,
          %scan3A_100 = arith.constant 3 : i32
          %scan3A_101 = arith.addi %scan3A_47, %scan3A_100 : i32
          %mul3A_102 = arith.constant 16 : i32
          %mul3A_103 = arith.muli %scan3A_29, %mul3A_102 : i32
          %add3A_104 = arith.addi %mul3A_103, %scan3A_101 : i32
          %mul3A_105 = arith.constant 6250 : i32
          %mul3A_106 = arith.muli %add3A_104, %mul3A_105 : i32
          %add3A_107 = vector.broadcast %mul3A_106 : i32 to vector<16xi32>
          %add3A_108 = arith.addi %shift_right_logical3A_41, %add3A_107 : vector<16xi32>
          %mul3A_109 = arith.constant 416 : i32
          %mul3A_110 = vector.broadcast %mul3A_109 : i32 to vector<16xi32>
          %mul3A_111 = arith.muli %iota3A, %mul3A_110 : vector<16xi32>
          %mul3A_112 = arith.constant 16 : i32
          %mul3A_113 = arith.muli %scan3A_29, %mul3A_112 : i32
          %add3A_114 = vector.broadcast %mul3A_113 : i32 to vector<16xi32>
          %add3A_115 = arith.addi %mul3A_111, %add3A_114 : vector<16xi32>
          %add3A_116 = vector.broadcast %scan3A_101 : i32 to vector<16xi32>
          %add3A_117 = arith.addi %add3A_115, %add3A_116 : vector<16xi32>
          tpu.vector_store_idx %arg6[%add3A_117], %add3A_108 : memref<6656xi32, #tpu.memory_space<vmem>>[vector<16xi32>], vector<16xi32>,
        }
        %scan3A_46 = arith.constant 16 : i32
      }
      %scan3A_17 = arith.constant 26 : i32
      %dma_start3A = arith.constant 0 : i32
      %dma_start3A_18 = arith.constant 0 : i32
      %dma_start3A_19 = tpu.memref_slice %arg3[%dma_start3A, %dma_start3A_18] : memref<2600000x16xf32, #tpu.memory_space<hbm>> -> memref<2600000x16xf32, #tpu.memory_space<hbm>>
      tpu.enqueue_indirect_dma source(%dma_start3A_19 : memref<2600000x16xf32, #tpu.memory_space<hbm>>) target(%arg7 : memref<6656x16xf32, #tpu.memory_space<vmem>>) offsets(%arg6 : memref<6656xi32, #tpu.memory_space<vmem>>) semaphore(%arg10 : memref<!tpu.dma_semaphore, #tpu.memory_space<semaphore_mem>>)
      %dma_wait3A = arith.constant 0 : i32
      %dma_wait3A_20 = arith.constant 0 : i32
      %dma_wait3A_21 = tpu.memref_slice %arg3[%dma_wait3A, %dma_wait3A_20] : memref<2600000x16xf32, #tpu.memory_space<hbm>> -> memref<2600000x16xf32, #tpu.memory_space<hbm>>
      tpu.wait_indirect_dma semaphore(%arg10 : memref<!tpu.dma_semaphore, #tpu.memory_space<semaphore_mem>>) src(%dma_wait3A_21 : memref<2600000x16xf32, #tpu.memory_space<hbm>>) dst(%arg7 : memref<6656x16xf32, #tpu.memory_space<vmem>>)
      %scan3A_22 = arith.constant 0 : i32
      %scan3A_23 = arith.constant 26 : i32
      %scan3A_24 = arith.addi %scan3A_22, %scan3A_23 : i32
      %scan3A_25 = arith.constant 1 : i32
      scf.for %scan3A_29 = %scan3A_22 to %scan3A_24 step %scan3A_25  : i32 {
        %mul3A_30 = arith.constant 16 : i32
        %mul3A_31 = arith.muli %scan3A_29, %mul3A_30 : i32
        %get3A = arith.index_cast %mul3A_31 : i32 to index
        %get3A_32 = tpu.vector_load %arg9[%get3A] {strides = array<i32>} : memref<416xi32, #tpu.memory_space<vmem>>, vector<16xi32>,
        %rem3A = arith.constant 16 : i32
        %rem3A_33 = vector.broadcast %rem3A : i32 to vector<16xi32>
        %rem3A_34 = arith.remsi %get3A_32, %rem3A_33 : vector<16xi32>
        %mul3A_35 = arith.constant 26 : i32
        %mul3A_36 = vector.broadcast %mul3A_35 : i32 to vector<16xi32>
        %mul3A_37 = arith.muli %iota3A, %mul3A_36 : vector<16xi32>
        %add3A_38 = vector.broadcast %scan3A_29 : i32 to vector<16xi32>
        %add3A_39 = arith.addi %mul3A_37, %add3A_38 : vector<16xi32>
        %scan3A_40 = arith.constant 0 : i32
        %scan3A_41 = arith.constant 16 : i32
        %scan3A_42 = arith.addi %scan3A_40, %scan3A_41 : i32
        %scan3A_43 = arith.constant 4 : i32
        scf.for %scan3A_45 = %scan3A_40 to %scan3A_42 step %scan3A_43  : i32 {
          %mul3A_46 = arith.constant 16 : i32
          %mul3A_47 = vector.broadcast %mul3A_46 : i32 to vector<16xi32>
          %mul3A_48 = arith.muli %add3A_39, %mul3A_47 : vector<16xi32>
          %add3A_49 = vector.broadcast %scan3A_45 : i32 to vector<16xi32>
          %add3A_50 = arith.addi %mul3A_48, %add3A_49 : vector<16xi32>
          %gather3A = tpu.vector_load_idx %arg7[%add3A_50, %rem3A_34] : memref<6656x16xf32, #tpu.memory_space<vmem>>[vector<16xi32>, vector<16xi32>], vector<16xf32>,
          %mul3A_51 = arith.constant 0 : i32
          %mul3A_52 = vector.broadcast %mul3A_51 : i32 to vector<16xi32>
          %mul3A_53 = arith.muli %iota3A, %mul3A_52 : vector<16xi32>
          %add3A_54 = vector.broadcast %scan3A_45 : i32 to vector<16xi32>
          %add3A_55 = arith.addi %mul3A_53, %add3A_54 : vector<16xi32>
          tpu.vector_store_idx %arg8[%add3A_39, %add3A_55], %gather3A : memref<416x16xf32, #tpu.memory_space<vmem>>[vector<16xi32>, vector<16xi32>], vector<16xf32>,
          %scan3A_56 = arith.constant 1 : i32
          %scan3A_57 = arith.addi %scan3A_45, %scan3A_56 : i32
          %mul3A_58 = arith.constant 16 : i32
          %mul3A_59 = vector.broadcast %mul3A_58 : i32 to vector<16xi32>
          %mul3A_60 = arith.muli %add3A_39, %mul3A_59 : vector<16xi32>
          %add3A_61 = vector.broadcast %scan3A_57 : i32 to vector<16xi32>
          %add3A_62 = arith.addi %mul3A_60, %add3A_61 : vector<16xi32>
          %gather3A_63 = tpu.vector_load_idx %arg7[%add3A_62, %rem3A_34] : memref<6656x16xf32, #tpu.memory_space<vmem>>[vector<16xi32>, vector<16xi32>], vector<16xf32>,
          %mul3A_64 = arith.constant 0 : i32
          %mul3A_65 = vector.broadcast %mul3A_64 : i32 to vector<16xi32>
          %mul3A_66 = arith.muli %iota3A, %mul3A_65 : vector<16xi32>
          %add3A_67 = vector.broadcast %scan3A_57 : i32 to vector<16xi32>
          %add3A_68 = arith.addi %mul3A_66, %add3A_67 : vector<16xi32>
          tpu.vector_store_idx %arg8[%add3A_39, %add3A_68], %gather3A_63 : memref<416x16xf32, #tpu.memory_space<vmem>>[vector<16xi32>, vector<16xi32>], vector<16xf32>,
          %scan3A_69 = arith.constant 2 : i32
          %scan3A_70 = arith.addi %scan3A_45, %scan3A_69 : i32
          %mul3A_71 = arith.constant 16 : i32
          %mul3A_72 = vector.broadcast %mul3A_71 : i32 to vector<16xi32>
          %mul3A_73 = arith.muli %add3A_39, %mul3A_72 : vector<16xi32>
          %add3A_74 = vector.broadcast %scan3A_70 : i32 to vector<16xi32>
          %add3A_75 = arith.addi %mul3A_73, %add3A_74 : vector<16xi32>
          %gather3A_76 = tpu.vector_load_idx %arg7[%add3A_75, %rem3A_34] : memref<6656x16xf32, #tpu.memory_space<vmem>>[vector<16xi32>, vector<16xi32>], vector<16xf32>,
          %mul3A_77 = arith.constant 0 : i32
          %mul3A_78 = vector.broadcast %mul3A_77 : i32 to vector<16xi32>
          %mul3A_79 = arith.muli %iota3A, %mul3A_78 : vector<16xi32>
          %add3A_80 = vector.broadcast %scan3A_70 : i32 to vector<16xi32>
          %add3A_81 = arith.addi %mul3A_79, %add3A_80 : vector<16xi32>
          tpu.vector_store_idx %arg8[%add3A_39, %add3A_81], %gather3A_76 : memref<416x16xf32, #tpu.memory_space<vmem>>[vector<16xi32>, vector<16xi32>], vector<16xf32>,
          %scan3A_82 = arith.constant 3 : i32
          %scan3A_83 = arith.addi %scan3A_45, %scan3A_82 : i32
          %mul3A_84 = arith.constant 16 : i32
          %mul3A_85 = vector.broadcast %mul3A_84 : i32 to vector<16xi32>
          %mul3A_86 = arith.muli %add3A_39, %mul3A_85 : vector<16xi32>
          %add3A_87 = vector.broadcast %scan3A_83 : i32 to vector<16xi32>
          %add3A_88 = arith.addi %mul3A_86, %add3A_87 : vector<16xi32>
          %gather3A_89 = tpu.vector_load_idx %arg7[%add3A_88, %rem3A_34] : memref<6656x16xf32, #tpu.memory_space<vmem>>[vector<16xi32>, vector<16xi32>], vector<16xf32>,
          %mul3A_90 = arith.constant 0 : i32
          %mul3A_91 = vector.broadcast %mul3A_90 : i32 to vector<16xi32>
          %mul3A_92 = arith.muli %iota3A, %mul3A_91 : vector<16xi32>
          %add3A_93 = vector.broadcast %scan3A_83 : i32 to vector<16xi32>
          %add3A_94 = arith.addi %mul3A_92, %add3A_93 : vector<16xi32>
          tpu.vector_store_idx %arg8[%add3A_39, %add3A_94], %gather3A_89 : memref<416x16xf32, #tpu.memory_space<vmem>>[vector<16xi32>, vector<16xi32>], vector<16xf32>,
        }
        %scan3A_44 = arith.constant 16 : i32
      }
      %scan3A_26 = arith.constant 26 : i32
      %mul3A_27 = arith.constant 26 : i32
      %mul3A_28 = arith.muli %add3A_10, %mul3A_27 : i32
      "tpu.region"() ({
        %run_scoped3A = tpu.sem_alloc : memref<!tpu.dma_semaphore, #tpu.memory_space<semaphore_mem>>
        %dma_start3A_29 = arith.constant 0 : i32
        %dma_start3A_30 = tpu.memref_slice %arg4[%mul3A_28, %dma_start3A_29] : memref<425984x16xf32, #tpu.memory_space<hbm>> -> memref<416x16xf32, #tpu.memory_space<hbm>>
        %dma_start3A_31 = arith.constant 0 : i32
        %dma_start3A_32 = tpu.memref_slice %arg4[%mul3A_28, %dma_start3A_31] : memref<425984x16xf32, #tpu.memory_space<hbm>> -> memref<416x16xf32, #tpu.memory_space<hbm>>
        tpu.enqueue_dma source(%arg8 : memref<416x16xf32, #tpu.memory_space<vmem>>) target(%dma_start3A_32 : memref<416x16xf32, #tpu.memory_space<hbm>>) target_semaphore(%run_scoped3A : memref<!tpu.dma_semaphore, #tpu.memory_space<semaphore_mem>>)
        %dma_wait3A_33 = arith.constant 0 : i32
        %dma_wait3A_34 = tpu.memref_slice %arg4[%mul3A_28, %dma_wait3A_33] : memref<425984x16xf32, #tpu.memory_space<hbm>> -> memref<416x16xf32, #tpu.memory_space<hbm>>
        %dma_wait3A_35 = arith.constant 0 : i32
        %dma_wait3A_36 = tpu.memref_slice %arg4[%mul3A_28, %dma_wait3A_35] : memref<425984x16xf32, #tpu.memory_space<hbm>> -> memref<416x16xf32, #tpu.memory_space<hbm>>
        tpu.wait_dma2 semaphore(%run_scoped3A : memref<!tpu.dma_semaphore, #tpu.memory_space<semaphore_mem>>) src(%arg8 : memref<416x16xf32, #tpu.memory_space<vmem>>) dst(%dma_wait3A_36 : memref<416x16xf32, #tpu.memory_space<hbm>>)
        tpu.yield
      }) : () -> ()
    }
    %scan3A_6 = arith.constant 32 : i32
    return
  }
}

module attributes {stable_mosaic.version = 14 : i64} {
  func.func @body(%arg0: i32, %arg1: memref<39x512xf32, #tpu.memory_space<vmem>>, %arg2: memref<512x416xf32, #tpu.memory_space<vmem>>, %arg3: memref<208x13xf32, #tpu.memory_space<vmem>>, %arg4: memref<208x1xf32, #tpu.memory_space<vmem>>, %arg5: memref<624x39xf32, #tpu.memory_space<vmem>>, %arg6: memref<39x624xf32, #tpu.memory_space<vmem>>, %arg7: memref<624x1xf32, #tpu.memory_space<vmem>>, %arg8: memref<624x1xf32, #tpu.memory_space<vmem>>, %arg9: memref<624x512xf32, #tpu.memory_space<vmem>>) attributes {dimension_semantics = [#tpu.dimension_semantics<arbitrary>], iteration_bounds = array<i64: 32>, scalar_prefetch = 0 : i64, scratch_operands = 0 : i64, tpu.core_type = #tpu.core_type<tc>, window_params = [{transform_indices = @transform_0, window_bounds = array<i64: 39, 512>}, {transform_indices = @transform_1, window_bounds = array<i64: 512, 416>}, {pipeline_mode = #tpu.pipeline_mode<synchronous>, transform_indices = @transform_2, window_bounds = array<i64: 208, 13>}, {pipeline_mode = #tpu.pipeline_mode<synchronous>, transform_indices = @transform_3, window_bounds = array<i64: 208, 1>}, {pipeline_mode = #tpu.pipeline_mode<synchronous>, transform_indices = @transform_4, window_bounds = array<i64: 624, 39>}, {pipeline_mode = #tpu.pipeline_mode<synchronous>, transform_indices = @transform_5, window_bounds = array<i64: 39, 624>}, {pipeline_mode = #tpu.pipeline_mode<synchronous>, transform_indices = @transform_6, window_bounds = array<i64: 624, 1>}, {pipeline_mode = #tpu.pipeline_mode<synchronous>, transform_indices = @transform_7, window_bounds = array<i64: 624, 1>}, {transform_indices = @transform_8, window_bounds = array<i64: 624, 512>}]} {
    %get3A = arith.constant 0 : index
    %get3A_0 = arith.constant 0 : index
    %get3A_1 = vector.load %arg3[%get3A, %get3A_0] : memref<208x13xf32, #tpu.memory_space<vmem>>, vector<208x13xf32>
    %get3A_2 = arith.constant 0 : index
    %get3A_3 = arith.constant 0 : index
    %get3A_4 = vector.load %arg1[%get3A_2, %get3A_3] : memref<39x512xf32, #tpu.memory_space<vmem>>, vector<13x512xf32>
    %dot_general3A = arith.constant dense<0.000000e+00> : vector<208x512xf32>
    %dot_general3A_5 = tpu.matmul %get3A_1, %get3A_4, %dot_general3A {dimension_numbers = #tpu.dot_dimension_numbers<[1], [0], [0], [1], [0, 0, 1, 1], [], []>, transpose_lhs_hint = false} : vector<208x13xf32>, vector<13x512xf32>, vector<208x512xf32> -> vector<208x512xf32>
    %get3A_6 = arith.constant 0 : index
    %get3A_7 = arith.constant 0 : index
    %get3A_8 = vector.load %arg4[%get3A_6, %get3A_7] : memref<208x1xf32, #tpu.memory_space<vmem>>, vector<208x1xf32>
    %add3A = vector.broadcast %get3A_8 : vector<208x1xf32> to vector<208x512xf32>
    %add3A_9 = arith.addf %dot_general3A_5, %add3A : vector<208x512xf32>
    %get3A_10 = arith.constant 0 : index
    %get3A_11 = arith.constant 0 : index
    %get3A_12 = vector.load %arg2[%get3A_10, %get3A_11] : memref<512x416xf32, #tpu.memory_space<vmem>>, vector<512x416xf32>
    %transpose3A = tpu.transpose %get3A_12, [1, 0] : vector<512x416xf32> -> vector<416x512xf32>
    %concatenate3A = tpu.concatenate %add3A_9, %transpose3A in 0 : vector<208x512xf32>, vector<416x512xf32> -> vector<624x512xf32>
    %get3A_13 = arith.constant 0 : index
    %get3A_14 = arith.constant 0 : index
    %get3A_15 = vector.load %arg6[%get3A_13, %get3A_14] : memref<39x624xf32, #tpu.memory_space<vmem>>, vector<39x624xf32>
    %dot_general3A_16 = arith.constant dense<0.000000e+00> : vector<39x512xf32>
    %dot_general3A_17 = tpu.matmul %get3A_15, %concatenate3A, %dot_general3A_16 {dimension_numbers = #tpu.dot_dimension_numbers<[1], [0], [0], [1], [0, 0, 1, 1], [], []>, transpose_lhs_hint = false} : vector<39x624xf32>, vector<624x512xf32>, vector<39x512xf32> -> vector<39x512xf32>
    %mul3A = arith.constant 6.250000e-02 : f32
    %mul3A_18 = vector.broadcast %mul3A : f32 to vector<39x512xf32>
    %mul3A_19 = arith.mulf %dot_general3A_17, %mul3A_18 : vector<39x512xf32>
    %get3A_20 = arith.constant 0 : index
    %get3A_21 = arith.constant 0 : index
    %get3A_22 = vector.load %arg5[%get3A_20, %get3A_21] : memref<624x39xf32, #tpu.memory_space<vmem>>, vector<624x39xf32>
    %dot_general3A_23 = arith.constant dense<0.000000e+00> : vector<624x512xf32>
    %dot_general3A_24 = tpu.matmul %get3A_22, %mul3A_19, %dot_general3A_23 {dimension_numbers = #tpu.dot_dimension_numbers<[1], [0], [0], [1], [0, 0, 1, 1], [], []>, transpose_lhs_hint = false} : vector<624x39xf32>, vector<39x512xf32>, vector<624x512xf32> -> vector<624x512xf32>
    %sub3A = arith.subf %concatenate3A, %dot_general3A_24 : vector<624x512xf32>
    %get3A_25 = arith.constant 0 : index
    %get3A_26 = arith.constant 0 : index
    %get3A_27 = vector.load %arg6[%get3A_25, %get3A_26] : memref<39x624xf32, #tpu.memory_space<vmem>>, vector<39x624xf32>
    %mul3A_28 = arith.mulf %sub3A, %sub3A : vector<624x512xf32>
    %dot_general3A_29 = arith.constant dense<0.000000e+00> : vector<39x512xf32>
    %dot_general3A_30 = tpu.matmul %get3A_27, %mul3A_28, %dot_general3A_29 {dimension_numbers = #tpu.dot_dimension_numbers<[1], [0], [0], [1], [0, 0, 1, 1], [], []>, transpose_lhs_hint = false} : vector<39x624xf32>, vector<624x512xf32>, vector<39x512xf32> -> vector<39x512xf32>
    %mul3A_31 = arith.constant 6.250000e-02 : f32
    %mul3A_32 = vector.broadcast %mul3A_31 : f32 to vector<39x512xf32>
    %mul3A_33 = arith.mulf %dot_general3A_30, %mul3A_32 : vector<39x512xf32>
    %add3A_34 = arith.constant 9.99999974E-6 : f32
    %add3A_35 = vector.broadcast %add3A_34 : f32 to vector<39x512xf32>
    %add3A_36 = arith.addf %mul3A_33, %add3A_35 : vector<39x512xf32>
    %rsqrt3A = math.rsqrt %add3A_36 : vector<39x512xf32>
    %get3A_37 = arith.constant 0 : index
    %get3A_38 = arith.constant 0 : index
    %get3A_39 = vector.load %arg5[%get3A_37, %get3A_38] : memref<624x39xf32, #tpu.memory_space<vmem>>, vector<624x39xf32>
    %dot_general3A_40 = arith.constant dense<0.000000e+00> : vector<624x512xf32>
    %dot_general3A_41 = tpu.matmul %get3A_39, %rsqrt3A, %dot_general3A_40 {dimension_numbers = #tpu.dot_dimension_numbers<[1], [0], [0], [1], [0, 0, 1, 1], [], []>, transpose_lhs_hint = false} : vector<624x39xf32>, vector<39x512xf32>, vector<624x512xf32> -> vector<624x512xf32>
    %mul3A_42 = arith.mulf %sub3A, %dot_general3A_41 : vector<624x512xf32>
    %get3A_43 = arith.constant 0 : index
    %get3A_44 = arith.constant 0 : index
    %get3A_45 = vector.load %arg7[%get3A_43, %get3A_44] : memref<624x1xf32, #tpu.memory_space<vmem>>, vector<624x1xf32>
    %mul3A_46 = vector.broadcast %get3A_45 : vector<624x1xf32> to vector<624x512xf32>
    %mul3A_47 = arith.mulf %mul3A_42, %mul3A_46 : vector<624x512xf32>
    %get3A_48 = arith.constant 0 : index
    %get3A_49 = arith.constant 0 : index
    %get3A_50 = vector.load %arg8[%get3A_48, %get3A_49] : memref<624x1xf32, #tpu.memory_space<vmem>>, vector<624x1xf32>
    %add3A_51 = vector.broadcast %get3A_50 : vector<624x1xf32> to vector<624x512xf32>
    %add3A_52 = arith.addf %mul3A_47, %add3A_51 : vector<624x512xf32>
    %swap3A = arith.constant 0 : index
    %swap3A_53 = arith.constant 0 : index
    %swap3A_54 = vector.load %arg9[%swap3A, %swap3A_53] : memref<624x512xf32, #tpu.memory_space<vmem>>, vector<624x512xf32>
    tpu.vector_store %arg9[%swap3A, %swap3A_53], %add3A_52 {strides = array<i32>} : memref<624x512xf32, #tpu.memory_space<vmem>>, vector<624x512xf32>,
    return
  }
  func.func @transform_0(%arg0: i32) -> (i32, i32) {
    %c0_i32 = arith.constant 0 : i32
    %c0_i32_0 = arith.constant 0 : i32
    return %c0_i32, %arg0 : i32, i32
  }
  func.func @transform_1(%arg0: i32) -> (i32, i32) {
    %c0_i32 = arith.constant 0 : i32
    %c0_i32_0 = arith.constant 0 : i32
    return %arg0, %c0_i32 : i32, i32
  }
  func.func @transform_2(%arg0: i32) -> (i32, i32) {
    %c0_i32 = arith.constant 0 : i32
    %c0_i32_0 = arith.constant 0 : i32
    %c0_i32_1 = arith.constant 0 : i32
    return %c0_i32, %c0_i32_0 : i32, i32
  }
  func.func @transform_3(%arg0: i32) -> (i32, i32) {
    %c0_i32 = arith.constant 0 : i32
    %c0_i32_0 = arith.constant 0 : i32
    %c0_i32_1 = arith.constant 0 : i32
    return %c0_i32, %c0_i32_0 : i32, i32
  }
  func.func @transform_4(%arg0: i32) -> (i32, i32) {
    %c0_i32 = arith.constant 0 : i32
    %c0_i32_0 = arith.constant 0 : i32
    %c0_i32_1 = arith.constant 0 : i32
    return %c0_i32, %c0_i32_0 : i32, i32
  }
  func.func @transform_5(%arg0: i32) -> (i32, i32) {
    %c0_i32 = arith.constant 0 : i32
    %c0_i32_0 = arith.constant 0 : i32
    %c0_i32_1 = arith.constant 0 : i32
    return %c0_i32, %c0_i32_0 : i32, i32
  }
  func.func @transform_6(%arg0: i32) -> (i32, i32) {
    %c0_i32 = arith.constant 0 : i32
    %c0_i32_0 = arith.constant 0 : i32
    %c0_i32_1 = arith.constant 0 : i32
    return %c0_i32, %c0_i32_0 : i32, i32
  }
  func.func @transform_7(%arg0: i32) -> (i32, i32) {
    %c0_i32 = arith.constant 0 : i32
    %c0_i32_0 = arith.constant 0 : i32
    %c0_i32_1 = arith.constant 0 : i32
    return %c0_i32, %c0_i32_0 : i32, i32
  }
  func.func @transform_8(%arg0: i32) -> (i32, i32) {
    %c0_i32 = arith.constant 0 : i32
    %c0_i32_0 = arith.constant 0 : i32
    return %c0_i32, %arg0 : i32, i32
  }
}

</mosaic_0001>

<sc_bundles>
// kernel: kernel.4.cloned.1.call-start
scs
__scs_entry_jumppad:
0x0: {  	(pc) =	sbr.rel $0x88, $3  }
0x1: {  	(tag) =	ssettag $0x0;
	lr =	simm.s32 $0x1  }
0x2: {  	[smem:$0x3F9B] =	sst lr;
	_ =	strace $0xD0000000  }
0x3: {  	_ = 	snop  }
0x4: {  	_ = 	snop  }
0x5: {  	_ = 	snop  }
0x6: {  	_ = 	snop  }
0x7: {  	_ = 	snop  }
__scs_overlays_trampoline_lowered:
0x8: {  	[smem:$0x3FAA] =	sst s0  }
0x9: {  	[smem:$0x3FAB] =	sst s1  }
0xa: {  	[smem:$0x3FAC] =	sst s2  }
0xb: {  	[smem:$0x3FAD] =	sst s3  }
0xc: {  	[smem:$0x3FAE] =	sst s4  }
0xd: {  	[smem:$0x3FAF] =	sst s5  }
0xe: {  	[smem:$0x3FB0] =	sst s6  }
0xf: {  	[smem:$0x3FB1] =	sst s7  }
0x10: {  	[smem:$0x3FB2] =	sst s8  }
0x11: {  	[smem:$0x3FB3] =	sst s9;
	s0 =	simm.s32 @!p0 $0x0  }
0x12: {  	s1 =	sld [smem:$0x3F99];
	s0 =	simm.s32 @p0 $0x1  }
0x13: {  	[smem:$0x3FB4] =	sst s0;
	s0 =	simm.s32 @!p1 $0x0  }
0x14: {  	s2 =	sld [smem:$0x3F98];
	s0 =	simm.s32 @p1 $0x1  }
0x15: {  	[smem:$0x3FB5] =	sst s0;
	s0 =	simm.s32 @!p2 $0x0  }
0x16: {  	s3 =	sld [smem:$0x3FDB];
	s0 =	simm.s32 @p2 $0x1  }
0x17: {  	s4 =	simm.s32 $0x1BF5;
	[smem:$0x3FB7] =	sst s0  }
0x18: {  	s0 =	sld [smem:$0x3F9A];
	_ =	swait.ge [sflag:s4], $0x0  }
0x19: {  	s7 =	sld [smem:$0x3F9B]  }
0x1a: {  	s8 =	sadd.s32 $0xFFFFE003, lr  }
0x1b: {  	s9 =	sadd.s32 $0xFFFFFEF7, lr;
	s5 =	simm.s32 $0xFFFFFFFF;
	p2 =	slt.u32 s8, $0xFFFFF086  }
0x1c: {  	p1 =	slt.u32 s9, $0xF7A;
	s5 =	simm.s32 @!p2 $0x0  }
0x1d: {  	s5 =	simm.s32 @p1 $0x1;
	p0 =	seq.s32 s7, s2  }
0x1e: {  	s7 =	smul.u32 @!p0 $0xF7A, s2;
	p2 =	seq.s32 @!p0 s5, $0x0  }
0x1f: {  	s9 =	smul.u32 $0xF7A, s1;
	s8 =	simm.s32 @!p0 $0x1BF5;
	p2 =	por !p2, p0  }
0x20: {  	[sflag:s8] =	ssyncset.s32 @!p0 $0xFFFFF086;
	s6 =	sadd.s32 @!p0 s3, s7;
	s7 =	simm.s32 @!p0 $0x108  }
0x21: {  	s3 =	sadd.s32 s3, s9;
	s6 =	sadd.s32 @!p0 $0x88, s6;
	s7 =	simm.s32 @p2 $0x1082  }
0x22: {  	[simem:s7], [sflag:s8] =	dma.local @!p0 [hbm:s6], $0xF7A  }
0x23: {  	s9 =	sor.u32 $0xD0000000, s2;
	s6 =	simm.s32 $0x108;
	_ =	swait.ge @!p0 [sflag:s8], $0x0  }
0x24: {  	s3 =	sadd.s32 $0x88, s3;
	s6 =	simm.s32 @!p1 $0x1082;
	[sflag:s4] =	ssyncset.s32 $0xFFFFF086  }
0x25: {  	[simem:s6], [sflag:s4] =	dma.local [hbm:s3], $0xF7A  }
0x26: {  	[smem:$0x3F9B] =	sst s1;
	(tag) =	ssettag s2;
	_ =	strace s9  }
0x27: {  	s1 =	sld [smem:$0x3FAB]  }
0x28: {  	s2 =	sld [smem:$0x3FAC]  }
0x29: {  	s4 =	sld [smem:$0x3FAE]  }
0x2a: {  	p0 =	seq.s32 s5, $0x0;
	s5 =	sld [smem:$0x3FAF]  }
0x2b: {  	s6 =	sld [smem:$0x3FB0]  }
0x2c: {  	s7 =	sld [smem:$0x3FB1]  }
0x2d: {  	s3 =	simm.s32 $0x108;
	s8 =	sld [smem:$0x3FB2]  }
0x2e: {  	s3 =	simm.s32 @!p0 $0x1082;
	s9 =	sld [smem:$0x3FB3]  }
0x2f: {  	lr =	sadd.s32 s0, s3;
	s0 =	sld [smem:$0x3FAA]  }
0x30: {  	s3 =	sld [smem:$0x3FAD]  }
0x31: {  	[smem:$0x3FB6] =	sst s10  }
0x32: {  	s10 =	sld [smem:$0x3FB4];
	_ =	sdelay $0x3  }
0x33: {  	p0 =	seq.s32 s10, $0x1;
	s10 =	sld [smem:$0x3FB6];
	_ =	sdelay $0x3  }
0x34: {  	[smem:$0x3FB6] =	sst s10  }
0x35: {  	s10 =	sld [smem:$0x3FB5];
	_ =	sdelay $0x3  }
0x36: {  	p1 =	seq.s32 s10, $0x1;
	s10 =	sld [smem:$0x3FB6];
	_ =	sdelay $0x3  }
0x37: {  	[smem:$0x3FB6] =	sst s10  }
0x38: {  	s10 =	sld [smem:$0x3FB7]  }
0x39: {  	_ = 	snop;
	(pc) =	sbr.ind lr, $3  }
0x3a: {  	_ = 	snop  }
0x3b: {  	_ = 	snop  }
0x3c: {  	p2 =	seq.s32 s10, $0x1;
	s10 =	sld [smem:$0x3FB6]  }
0x3d: {  	_ =	shalt  }
0x3e: {  	_ =	shalt  }
0x3f: {  	_ =	shalt  }
0x40: {  	_ =	shalt  }
0x41: {  	_ =	shalt  }
0x42: {  	_ =	shalt  }
0x43: {  	_ =	shalt  }
0x44: {  	_ =	shalt  }
0x45: {  	_ =	shalt  }
0x46: {  	_ =	shalt  }
0x47: {  	_ =	shalt  }
0x48: {  	_ =	shalt  }
0x49: {  	_ =	shalt  }
0x4a: {  	_ =	shalt  }
0x4b: {  	_ =	shalt  }
0x4c: {  	_ =	shalt  }
0x4d: {  	_ =	shalt  }
0x4e: {  	_ =	shalt  }
0x4f: {  	_ =	shalt  }
0x50: {  	_ =	shalt  }
0x51: {  	_ =	shalt  }
0x52: {  	_ =	shalt  }
0x53: {  	_ =	shalt  }
0x54: {  	_ =	shalt  }
0x55: {  	_ =	shalt  }
0x56: {  	_ =	shalt  }
0x57: {  	_ =	shalt  }
0x58: {  	_ =	shalt  }
0x59: {  	_ =	shalt  }
0x5a: {  	_ =	shalt  }
0x5b: {  	_ =	shalt  }
0x5c: {  	_ =	shalt  }
0x5d: {  	_ =	shalt  }
0x5e: {  	_ =	shalt  }
0x5f: {  	_ =	shalt  }
0x60: {  	_ =	shalt  }
0x61: {  	_ =	shalt  }
0x62: {  	_ =	shalt  }
0x63: {  	_ =	shalt  }
0x64: {  	_ =	shalt  }
0x65: {  	_ =	shalt  }
0x66: {  	_ =	shalt  }
0x67: {  	_ =	shalt  }
0x68: {  	_ =	shalt  }
0x69: {  	_ =	shalt  }
0x6a: {  	_ =	shalt  }
0x6b: {  	_ =	shalt  }
0x6c: {  	_ =	shalt  }
0x6d: {  	_ =	shalt  }
0x6e: {  	_ =	shalt  }
0x6f: {  	_ =	shalt  }
0x70: {  	_ =	shalt  }
0x71: {  	_ =	shalt  }
0x72: {  	_ =	shalt  }
0x73: {  	_ =	shalt  }
0x74: {  	_ =	shalt  }
0x75: {  	_ =	shalt  }
0x76: {  	_ =	shalt  }
0x77: {  	_ =	shalt  }
0x78: {  	_ =	shalt  }
0x79: {  	_ =	shalt  }
0x7a: {  	_ =	shalt  }
0x7b: {  	_ =	shalt  }
0x7c: {  	_ =	shalt  }
0x7d: {  	_ =	shalt  }
0x7e: {  	_ =	shalt  }
0x7f: {  	_ =	shalt  }
0x80: {  	_ =	shalt  }
0x81: {  	_ =	shalt  }
0x82: {  	_ =	shalt  }
0x83: {  	_ =	shalt  }
0x84: {  	_ =	shalt  }
0x85: {  	_ =	shalt  }
0x86: {  	_ =	shalt  }
0x87: {  	_ =	shalt  }
.Lfunc_end0:
.L_simem_size_0:
called_computation_lowered:
.L_overlay_start_0:
0x88: {  	s2 =	sld [smem:$0x3FD9]  }
0x89: {  	s3 =	sld [smem:$0x3FFE];
	_ =	sdelay $0x1  }
0x8a: {  	s1 =	srdreg.scid  }
0x8b: {  	s0 =	sand.u32 $0x1, s1  }
0x8c: {  	s17 =	sshll.u32 s0, $0xA;
	s2 =	sadd.s32 s3, s2  }
0x8d: {  	s2 =	sadd.s32 s2, s17  }
0x8e: {  	[smem:$0x3FC2] =	sst s2  }
0x8f: {  	_ = 	snop  }
0x90: {  	s2 =	sld [smem:$0x3FD0];
	(tm) =	ssettm $0x1  }
0x91: {  	s18 =	sld [smem:$0x3FFB];
	_ =	sdelay $0x3  }
0x92: {  	_ =	strace s18  }
0x93: {  	s3 =	sld [smem:$0x3FFC];
	_ =	sdelay $0x3  }
0x94: {  	_ =	strace s3  }
0x95: {  	s3 =	sld [smem:$0x3FFD];
	_ =	sdelay $0x3  }
0x96: {  	_ =	strace s3  }
0x97: {  	_ =	strace $0x8FFFFFFF  }
0x98: {  	s19 =	sld [smem:$0x3FDB];
	_ =	sdelay $0x1  }
0x99: {  	s4 =	simm.s32 $_scs_section_size  }
0x9a: {  	s5 =	simm.s32 $_size__tile_overlayer_lowered;
	s6 =	simm.s32 $_tile_overlayer_lowered  }
0x9b: {  	s22 =	simm.s32 $0x1BFF;
	s21 =	sshll.u32 s6, $0x1;
	s3 =	sadd.s32 s4, s19  }
0x9c: {  	s7 =	simm.s32 $0x0;
	s20 =	sshll.u32 s5, $0x1;
	s5 =	sadd.s32 s21, s3  }
0x9d: {  	[timem:s7], [sflag:s22] =	dma.local [hbm:s5], s20  }
0x9e: {  	_ =	swait.ge [sflag:s22], s20  }
0x9f: {  	s4 =	ssub.s32 $0x0, s20;
	[sflag:s22] =	ssyncset.done $0x0  }
0xa0: {  	[sflag:s22] =	ssyncadd.s32 s4;
	_ =	sdelay $0x1  }
0xa1: {  	s23 =	simm.s32 $0x1B8B  }
0xa2: {  	_ =	swait.ge [sflag:s23], $0x1  }
0xa3: {  	[sflag:s23] =	ssyncset.done $0x0  }
0xa4: {  	s25 =	simm.s32 $0x1B8E;
	s24 =	sld [smem:$0x3FFE];
	[sflag:s23] =	ssyncadd.s32 $0xFFFFFFFF  }
0xa5: {  	s26 =	simm.s32 $execute0_lowered;
	[smem:$0x3FD2] =	sst s25  }
0xa6: {  	s5 =	sshll.u32 s26, $0x1;
	_ =	strace $0x80000046;
	[dreg:$0x1] =	wrdreg $0xFFFFFFFF  }
0xa7: {  	s28 =	simm.s32 $_size_execute0_lowered;
	s3 =	sadd.s32 s3, s5;
	[dreg:$0x0] =	wrdreg $0x0  }
0xa8: {  	s5 =	sshll.u32 s28, $0x1;
	[dreg:$0x2] =	wrdreg s3  }
0xa9: {  	[dreg:$0x3] =	wrdreg s5  }
0xaa: {  	[dreg:$0x4] =	wrdreg $0xC0  }
0xab: {  	_ =	task [dreg:s7], $0x5FFFF  }
0xac: {  	[dreg:$0x1] =	wrdreg $0xFFFFFFFF  }
0xad: {  	[dreg:$0x0] =	wrdreg $0x60  }
0xae: {  	[dreg:$0x2] =	wrdreg s24  }
0xaf: {  	[dreg:$0x3] =	wrdreg s2  }
0xb0: {  	[dreg:$0x4] =	wrdreg $0x9  }
0xb1: {  	_ =	task.clear_ibuf [dreg:s7], $0x5FFFF;
	_ =	strace $0x90000046  }
0xb2: {  	s29 =	simm.s32 $0x9;
	_ =	strace $0x80000048  }
0xb3: {  	_ =	swait.ge [sflag:s29], $0x1  }
0xb4: {  	[sflag:s29] =	ssyncadd.s32 $0xFFFFFFFF  }
0xb5: {  	_ =	strace $0x90000048  }
0xb6: {  	_ =	sfence  }
0xb7: {  	s30 =	sld [smem:$0x0];
	_ =	sdelay $0x2  }
0xb8: {  	s31 =	sshll.u32 s1, $0xD;
	s1 =	sshrl.u32 s1, $0x2  }
0xb9: {  	s3 =	sand.u32 $0x4000, s31;
	s1 =	sadd.s32 s1, s30  }
0xba: {  	s0 =	sor.u32 s3, s0;
	s1 =	sshll.u32 s1, $0x11  }
0xbb: {  	s0 =	sor.u32 s1, s0  }
0xbc: {  	s0 =	sadd.s32 $0x8F2B, s0  }
0xbd: {  	[sflag:s0] =	ssyncadd.remote.s32 $0x1  }
0xbe: {  	_ =	sfence.sel $0xFFFF  }
0xbf: {  	[dreg:$0x0] =	wrdreg $0xFFFFFFFF;
	(pc) =	sbr.abs _section_cstart, $3  }
0xc0: {  	[dreg:$0x1] =	wrdreg $0xFFFFFFFF  }
0xc1: {  	_ =	task.clear_ibuf [dreg:s7], $0x2FFFF;
	_ =	strace $0x9FFFFFFF  }
0xc2: {  	(tm) =	ssettm $0x7FFFFFFF  }
0xc3: {  	_ =	shalt  }
tec
execute0_lowered:
.L_overlay_start_1:
0x0: {  	(tag) =	ssettag $0x1  }
0x1: {  	s3 =	rddreg [dreg:$0x0]  }
0x2: {  	s1 =	rddreg [dreg:$0x1]  }
0x3: {  	s0 =	rddreg [dreg:$0x2];
	s2 =	simm.s32 $0x0  }
0x4: {  	s4 =	srdreg.scid;
	s9 =	simm.s32 $0x270;
	s10 =	simm.s32 $0x1A00  }
0x5: {  	s11 =	simm.s32 $0x1C70;
	s12 =	simm.s32 $0x1;
	s13 =	simm.s32 $0x1BC70  }
0x6: {  	s14 =	simm.s32 $0x0;
	[smem:$0x7FF] =	sst s2;
	s6 =	sand.u32 $0x1, s4  }
0x7: {  	s4 =	sadd.s32 $0xE00, s3;
	s5 =	sadd.s32 $0x14600, s3;
	s7 =	ssub.s32 $0x2, s6  }
0x8: {  	s3 =	stileid.u32;
	_ =	strace $0x80000047;
	s8 =	sshrl.u32 s7, $0x1  }
0x9: {  	v1 =	vlaneseq.u32;
	s31 =	sshll.u32 s3, $0xA;
	s6 =	sshll.u32 s6, $0x9;
	s7 =	ssub.s32 s7, s8  }
0xa: {  	v0 =	vmul.u32 $0x27, v1;
	v1 =	vmul.u32 $0x1A0, v1;
	s6 =	sor.u32 s6, s31;
	s8 =	simm.s32 $0x2;
	s7 =	smax.u32 s7, $0x1  }
.LBB2_1:
0xb: {  	s15 =	simm.s32 $0x0  }
.LBB2_2:
0xc: {  	s16 =	sshll.u32 s15, $0x4  }
0xd: {  	s16 =	sadd.s32 s6, s16  }
0xe: {  	s17 =	smul.u32 $0x27, s16;
	_ =	sdelay $0x1  }
0xf: {  	s17 =	sshrl.u32 s17, $0x3  }
0x10: {  	s18 =	sadd.s32 s4, s17;
	s17 =	simm.s32 $0x0  }
0x11: {  	[tilespmem:s17], [sflag:$0x2] =	stream.linear.gather [hbm4b:s18+s17], $0x270, $0x38;
	[tilespmem:$0x1D810] =	vst v63  }
0x12: {  	_ =	swait.ge [sflag:s8], $0x270  }
0x13: {  	[sflag:s8] =	ssyncset.done $0x0  }
0x14: {  	s19 =	simm.s32 $0x0;
	s18 =	simm.s32 $0x493E;
	[sflag:s8] =	ssyncadd.s32 $0xFFFFFD90  }
.LBB2_3:
0x15: {  	s20 =	sadd.s32 $0xD, s19  }
0x16: {  	v2 =	vadd.s32 s20, v0;
	_ =	sdelay $0x4  }
0x17: {  	v2 =	vld.idx.msk [tilespmem:v2+s17+$0x0], $0xffff;
	_ =	sdelay $0x2  }
0x18: {  	v3 =	vmov s17  }
0x19: {  	v3 =	vand.u32 $0xC, v3  }
0x1a: {  	s21 =	sshll.u32 s19, $0x4;
	s26 =	simm.s32 $0x1;
	v4 =	vbroadcast v3, $0x0;
	v2 =	vtrunc.f32 v2  }
0x1b: {  	s28 =	simm.s32 $0x2;
	v3 =	vadd.s32 s21, v1;
	v8 =	vcvt.f32.s32 v2;
	v2 =	vmov s26  }
0x1c: {  	s20 =	simm.s32 $0x4;
	v9 =	vor.u32 v3, v4;
	v4 =	vmov s28;
	v2 =	vand.u32 $0xD, v2  }
0x1d: {  	v6 =	vmov s20;
	v4 =	vand.u32 $0xE, v4;
	v5 =	vbroadcast v2, $0x0  }
0x1e: {  	v7 =	vand.u32 $0xC, v6;
	v4 =	vbroadcast v4, $0x0  }
0x1f: {  	s23 =	simm.s32 $0x5;
	v10 =	vbroadcast v7, $0x0;
	v6 =	vor.u32 v3, v5  }
0x20: {  	s29 =	simm.s32 $0x3;
	v12 =	vmov s23;
	v7 =	vor.u32 v3, v4  }
0x21: {  	s22 =	sadd.s32 $0xFFFFB6C2, s18;
	s30 =	simm.s32 $0x6;
	v4 =	vor.u32 v3, v10;
	v2 =	vshrl.u32 v8, $0x4;
	v5 =	vor.u32 s29, v3  }
0x22: {  	s31 =	sadd.s32 $0xFFFFCF2C, s18;
	s24 =	sadd.s32 $0xFFFFE796, s18;
	v10 =	vmov s30;
	[tilespmem:s21+$0x1D670] =	vst v8;
	v8 =	vand.u32 $0xD, v12;
	v11 =	vadd.s32 s22, v2  }
0x23: {  	s23 =	simm.s32 $0x8;
	v10 =	vand.u32 $0xE, v10;
	s21 =	smov.u32 s18;
	v8 =	vbroadcast v8, $0x0;
	s22 =	smov.u32 s18;
	[tilespmem:v9+s9+$0x0] =	vst.idx.msk $0xffff, v11;
	v9 =	vadd.s32 s31, v2  }
.LBB2_4:
0x24: {  	v11 =	vmov s23;
	v10 =	vbroadcast v10, $0x0;
	[tilespmem:v6+s9+$0x0] =	vst.idx.msk $0xffff, v9;
	v9 =	vadd.s32 s24, v2;
	s22 =	sadd.s32 $0x61A8, s22;
	p0 =	slt.u32 s23, $0xC  }
.Ltmp0:
0x25: {  	v11 =	vand.u32 $0xC, v11;
	s24 =	sadd.s32 $0xFFFFB6C2, s22;
	v6 =	vor.u32 v3, v8;
	[tilespmem:v7+s9+$0x0] =	vst.idx.msk $0xffff, v9;
	v8 =	vadd.s32 s21, v2;
	s21 =	smov.u32 s22;
	(pc) =	sbr.rel @p0 .LBB2_4-.Ltmp0, $4  }
0x26: {  	s25 =	sadd.s32 $0x1, s23;
	v9 =	vbroadcast v11, $0x0;
	v11 =	vadd.s32 s24, v2;
	v7 =	vor.u32 v3, v10;
	s24 =	sadd.s32 $0x3, s20;
	[tilespmem:v5+s9+$0x0] =	vst.idx.msk $0xffff, v8;
	s20 =	smov.u32 s23  }
0x27: {  	v8 =	vmov s25;
	s25 =	sadd.s32 $0x2, s23;
	[tilespmem:v4+s9+$0x0] =	vst.idx.msk $0xffff, v11;
	v5 =	vor.u32 s24, v3  }
0x28: {  	s23 =	sadd.s32 $0x4, s23;
	v8 =	vand.u32 $0xD, v8;
	s24 =	sadd.s32 $0xFFFFCF2C, s22;
	v4 =	vor.u32 v3, v9;
	v9 =	vmov s25  }
0x29: {  	v8 =	vbroadcast v8, $0x0;
	v10 =	vand.u32 $0xE, v9;
	v9 =	vadd.s32 s24, v2;
	s24 =	sadd.s32 $0xFFFFE796, s22  }
0x2a: {  	_ =	sdelay $0x1  }
0x2b: {  	v10 =	vbroadcast v10, $0x0  }
0x2c: {  	v8 =	vor.u32 v3, v8  }
0x2d: {  	[tilespmem:v6+s9+$0x0] =	vst.idx.msk $0xffff, v9;
	v58 =	vadd.s32 s24, v2;
	s22 =	sadd.s32 $0x61A8, s22;
	s20 =	sadd.s32 $0x3, s20;
	s19 =	sadd.s32 $0x1, s19;
	v59 =	vor.u32 v3, v10  }
0x2e: {  	v60 =	vadd.s32 s21, v2;
	s23 =	sadd.s32 $0xFFFFB6C2, s22;
	[tilespmem:v7+s9+$0x0] =	vst.idx.msk $0xffff, v58;
	p0 =	sne.s32 s19, $0x1A;
	v3 =	vor.u32 s20, v3  }
.Ltmp1:
0x2f: {  	s30 =	sadd.s32 $0xFFFFCF2C, s22;
	v61 =	vadd.s32 s23, v2;
	[tilespmem:v5+s9+$0x0] =	vst.idx.msk $0xffff, v60;
	(pc) =	sbr.rel @p0 .LBB2_3-.Ltmp1, $4  }
0x30: {  	s31 =	sadd.s32 $0xFFFFE796, s22;
	v62 =	vadd.s32 s30, v2;
	[tilespmem:v4+s9+$0x0] =	vst.idx.msk $0xffff, v61  }
0x31: {  	v63 =	vadd.s32 s31, v2;
	[tilespmem:v8+s9+$0x0] =	vst.idx.msk $0xffff, v62  }
0x32: {  	v2 =	vadd.s32 s22, v2;
	[tilespmem:v59+s9+$0x0] =	vst.idx.msk $0xffff, v63  }
0x33: {  	s18 =	sadd.s32 $0x186A0, s18;
	[tilespmem:v3+s9+$0x0] =	vst.idx.msk $0xffff, v2  }
0x34: {  	[tilespmem:s11], [sflag:$0x1] =	stream.indirect.gather [hbm4b:s5+s10], $0x10, s9, s10, $0xb8;
	[tilespmem:$0x1D810] =	vst v63  }
0x35: {  	_ =	swait.ge [sflag:s12], $0x1A000  }
0x36: {  	[sflag:s12] =	ssyncset.done $0x0  }
0x37: {  	s17 =	simm.s32 $0x0;
	s18 =	simm.s32 $0x0;
	[sflag:s12] =	ssyncadd.s32 $0xFFFE6000  }
.LBB2_7:
0x38: {  	s19 =	sshll.u32 s18, $0x4  }
0x39: {  	s19 =	sand.u32 $0x3FFFFFF0, s19  }
0x3a: {  	v2 =	vld [tilespmem:s19+$0x1D670];
	_ =	sdelay $0x4  }
0x3b: {  	v4 =	vmov s18;
	v3 =	vshra.s32 v2, $0x1F  }
0x3c: {  	v4 =	vshll.u32 v4, $0x4;
	v3 =	vshrl.u32 v3, $0x1C  }
0x3d: {  	v5 =	vadd.s32 v3, v2;
	v3 =	vadd.s32 v1, v4  }
0x3e: {  	v4 =	vand.u32 $0xFFFFFFF0, v5;
	v5 =	vor.u32 s17, v3  }
0x3f: {  	v2 =	vsub.s32 v2, v4;
	v4 =	vshll.u32 v5, $0x4  }
0x40: {  	v4 =	vadd.s32 v2, v4;
	_ =	sdelay $0x2  }
0x41: {  	s29 =	simm.s32 $0x1  }
0x42: {  	v6 =	vor.u32 s29, v3  }
0x43: {  	v7 =	vshll.u32 v6, $0x4;
	v4 =	vld.idx.msk [tilespmem:v4+s11+$0x0], $0xffff  }
0x44: {  	v7 =	vadd.s32 v2, v7;
	_ =	sdelay $0x2  }
0x45: {  	s30 =	simm.s32 $0x2  }
0x46: {  	[tilespmem:v5+s13+$0x0] =	vst.idx.msk $0xffff, v4;
	v4 =	vor.u32 s30, v3  }
0x47: {  	v5 =	vld.idx.msk [tilespmem:v7+s11+$0x0], $0xffff;
	v7 =	vshll.u32 v4, $0x4  }
0x48: {  	v7 =	vadd.s32 v2, v7;
	_ =	sdelay $0x2  }
0x49: {  	s31 =	simm.s32 $0x3  }
0x4a: {  	[tilespmem:v6+s13+$0x0] =	vst.idx.msk $0xffff, v5;
	v5 =	vor.u32 s31, v3  }
0x4b: {  	v6 =	vld.idx.msk [tilespmem:v7+s11+$0x0], $0xffff;
	v7 =	vshll.u32 v5, $0x4  }
0x4c: {  	v7 =	vadd.s32 v2, v7;
	_ =	sdelay $0x3  }
0x4d: {  	s19 =	simm.s32 $0x4;
	[tilespmem:v4+s13+$0x0] =	vst.idx.msk $0xffff, v6  }
0x4e: {  	s20 =	simm.s32 $0x8;
	v4 =	vor.u32 s19, v3;
	v6 =	vld.idx.msk [tilespmem:v7+s11+$0x0], $0xffff  }
.LBB2_8:
0x4f: {  	p0 =	slt.u32 s20, $0xC;
	v7 =	vshll.u32 v4, $0x4  }
0x50: {  	v7 =	vadd.s32 v2, v7;
	_ =	sdelay $0x3  }
0x51: {  	s21 =	sadd.s32 $0x1, s19;
	[tilespmem:v5+s13+$0x0] =	vst.idx.msk $0xffff, v6  }
0x52: {  	v6 =	vor.u32 s21, v3;
	v5 =	vld.idx.msk [tilespmem:v7+s11+$0x0], $0xffff  }
0x53: {  	v7 =	vshll.u32 v6, $0x4  }
0x54: {  	v7 =	vadd.s32 v2, v7;
	_ =	sdelay $0x3  }
0x55: {  	s21 =	sadd.s32 $0x2, s19;
	[tilespmem:v4+s13+$0x0] =	vst.idx.msk $0xffff, v5  }
0x56: {  	v4 =	vld.idx.msk [tilespmem:v7+s11+$0x0], $0xffff;
	v7 =	vor.u32 s21, v3  }
0x57: {  	v5 =	vshll.u32 v7, $0x4  }
0x58: {  	v5 =	vadd.s32 v2, v5;
	_ =	sdelay $0x3  }
0x59: {  	s21 =	sadd.s32 $0x3, s19;
	s19 =	smov.u32 s20;
	[tilespmem:v6+s13+$0x0] =	vst.idx.msk $0xffff, v4  }
0x5a: {  	v4 =	vld.idx.msk [tilespmem:v5+s11+$0x0], $0xffff;
	v5 =	vor.u32 s21, v3  }
0x5b: {  	v6 =	vshll.u32 v5, $0x4  }
0x5c: {  	v6 =	vadd.s32 v2, v6  }
.Ltmp2:
0x5d: {  	(pc) =	sbr.rel @p0 .LBB2_8-.Ltmp2, $3  }
0x5e: {  	_ =	sdelay $0x1  }
0x5f: {  	[tilespmem:v7+s13+$0x0] =	vst.idx.msk $0xffff, v4  }
0x60: {  	s20 =	sadd.s32 $0x4, s20;
	v4 =	vor.u32 s19, v3;
	v6 =	vld.idx.msk [tilespmem:v6+s11+$0x0], $0xffff  }
0x61: {  	v7 =	vshll.u32 v4, $0x4  }
0x62: {  	v7 =	vadd.s32 v2, v7;
	_ =	sdelay $0x2  }
0x63: {  	s20 =	sadd.s32 $0x1, s19  }
0x64: {  	v59 =	vor.u32 s20, v3;
	[tilespmem:v5+s13+$0x0] =	vst.idx.msk $0xffff, v6  }
0x65: {  	v60 =	vshll.u32 v59, $0x4;
	v6 =	vld.idx.msk [tilespmem:v7+s11+$0x0], $0xffff  }
0x66: {  	v7 =	vadd.s32 v2, v60;
	_ =	sdelay $0x2  }
0x67: {  	s30 =	sadd.s32 $0x2, s19  }
0x68: {  	v61 =	vor.u32 s30, v3;
	[tilespmem:v4+s13+$0x0] =	vst.idx.msk $0xffff, v6  }
0x69: {  	v62 =	vshll.u32 v61, $0x4;
	v6 =	vld.idx.msk [tilespmem:v7+s11+$0x0], $0xffff  }
0x6a: {  	v7 =	vadd.s32 v2, v62;
	_ =	sdelay $0x2  }
0x6b: {  	s31 =	sadd.s32 $0x3, s19  }
0x6c: {  	v3 =	vor.u32 s31, v3;
	[tilespmem:v59+s13+$0x0] =	vst.idx.msk $0xffff, v6  }
0x6d: {  	v63 =	vshll.u32 v3, $0x4;
	v5 =	vld.idx.msk [tilespmem:v7+s11+$0x0], $0xffff  }
0x6e: {  	v2 =	vadd.s32 v2, v63;
	_ =	sdelay $0x3  }
0x6f: {  	s18 =	sadd.s32 $0x1, s18;
	[tilespmem:v61+s13+$0x0] =	vst.idx.msk $0xffff, v5  }
0x70: {  	p0 =	sne.s32 s18, $0x1A;
	v2 =	vld.idx.msk [tilespmem:v2+s11+$0x0], $0xffff  }
.Ltmp3:
0x71: {  	_ = 	snop;
	(pc) =	sbr.rel @p0 .LBB2_7-.Ltmp3, $2  }
0x72: {  	_ =	sdelay $0x2  }
0x73: {  	[tilespmem:v3+s13+$0x0] =	vst.idx.msk $0xffff, v2  }
0x74: {  	s16 =	smul.u32 $0x34, s16;
	s15 =	sadd.s32 $0x1, s15  }
0x75: {  	p0 =	sne.s32 s15, $0x20  }
.Ltmp4:
0x76: {  	s16 =	sadd.s32 s1, s16;
	(pc) =	sbr.rel @p0 .LBB2_2-.Ltmp4, $4  }
0x77: {  	[hbm4b:s16+s2] =	stream.linear.scatter [tilespmem:s13], [sflag:$0x2], $0x1A00, $0x38;
	[tilespmem:$0x1D810] =	vst v63  }
0x78: {  	_ =	swait.ge [sflag:s8], $0x1A00  }
0x79: {  	[sflag:s8] =	ssyncset.done $0x0  }
0x7a: {  	[sflag:s8] =	ssyncadd.s32 $0xFFFFE600  }
0x7b: {  	s14 =	sadd.s32 $0x1, s14  }
0x7c: {  	p0 =	sne.s32 s14, s7  }
.Ltmp5:
0x7d: {  	_ = 	snop;
	(pc) =	sbr.rel @p0 .LBB2_1-.Ltmp5, $1  }
0x7e: {  	_ =	sdelay $0x3  }
0x7f: {  	_ =	sfence.sel $0x180000  }
0x80: {  	[bflag:$0x0] =	sbarrier.arrive $0xFFFF  }
0x81: {  	p0 =	sne.s32 s3, $0x0;
	_ =	strace $0x90000047  }
0x82: {  	s0 =	sadd.s32 @!p0 $0x100000, s0;
	[bflag:$0x2] =	sbarrier.arrive $0xFFFF  }
0x83: {  	[sflag:s0] =	ssyncadd.tile.s32 @!p0 $0x1;
	_ =	shalt  }
.Lfunc_end2:
_tile_overlayer_lowered:
.L_overlay_start_2:
0x84: {  	(tag) =	ssettag $0x2  }
0x85: {  	s0 =	rddreg [dreg:$0x0];
	s2 =	stileid.u32  }
0x86: {  	s1 =	rddreg [dreg:$0x1];
	p0 =	sne.s32 s2, $0x0  }
0x87: {  	s3 =	rddreg [dreg:$0x2];
	[bflag:$0x3] =	sbarrier.arrive $0xFFFF;
	s2 =	simm.s32 @!p0 $0x1C02  }
0x88: {  	[timem:s3], [sflag:s2] =	dma.local @!p0 [hbm:s0], s1  }
0x89: {  	s0 =	simm.s32 @!p0 $0x2  }
0x8a: {  	_ =	swait.ge @!p0 [sflag:s0], s1  }
0x8b: {  	s1 =	ssub.s32 @!p0 $0x0, s1;
	[sflag:s0] =	ssyncset.done @!p0 $0x0  }
0x8c: {  	[sflag:s0] =	ssyncadd.s32 @!p0 s1  }
0x8d: {  	[bflag:$0x3] =	sbarrier.arrive $0xFFFF  }
0x8e: {  	_ =	shalt  }

</sc_bundles>
